<compile_context>
chip_gen: v7x
topology: tpu7x:2x2x1
jax: 0.10.2.dev20260603
libtpu: 0.0.44.dev20260713+nightly
codegen_flags: <defaults>
</compile_context>

<pallas_src>
import functools
import jax
import jax.numpy as jnp
from jax import lax
from jax.experimental import pallas as pl
from jax.experimental.pallas import tpu as pltpu
from jax.experimental.pallas import tpu_sc as plsc

CONTEXT = 2048
EMBED = 128
NBATCH = 4
NC, NS, L = 2, 16, 16
NW = NC * NS
ROWS = NBATCH * CONTEXT
R_PER_W = ROWS // NW
N_CHUNKS = 4
CHUNK = R_PER_W // N_CHUNKS
P_SLICES = CONTEXT // R_PER_W
P_PER_SC = P_SLICES // NC


def _sc_embed(token_ids_2d, token_table, pos_table):
    mesh = plsc.VectorSubcoreMesh(core_axis_name="c", subcore_axis_name="s")

    @functools.partial(
        pl.kernel,
        out_type=jax.ShapeDtypeStruct((ROWS, EMBED), jnp.float32),
        mesh=mesh,
        scratch_types=[
            pltpu.VMEM((R_PER_W,), jnp.int32),
            pltpu.VMEM((R_PER_W, EMBED), jnp.float32),
            pltpu.VMEM_SHARED((P_PER_SC * R_PER_W, EMBED), jnp.float32),
            pltpu.SemaphoreType.DMA,
        ]
        + [pltpu.SemaphoreType.DMA] * N_CHUNKS
        + [pltpu.SemaphoreType.DMA] * N_CHUNKS,
    )
    def body(
        ids_hbm, table_hbm, pos_hbm, out_hbm, idx_v, rows_v, pos_sh, sem_io, *sems
    ):
        sem_pos = sems[:N_CHUNKS]
        sem_g = sems[N_CHUNKS:]
        c = lax.axis_index("c")
        s = lax.axis_index("s")
        b = s // P_PER_SC
        p_local = lax.rem(s, P_PER_SC)
        p = P_PER_SC * c + p_local
        chunkid = b * P_SLICES + p
        base = chunkid * R_PER_W

        idx_cp = pltpu.async_copy(
            ids_hbm.at[b, pl.ds(p * R_PER_W, R_PER_W)], idx_v, sem_io
        )
        @pl.when(s < P_PER_SC)
        def _():
            pltpu.sync_copy(
                pos_hbm.at[pl.ds((P_PER_SC * c + s) * R_PER_W, R_PER_W)],
                pos_sh.at[pl.ds(s * R_PER_W, R_PER_W)],
            )

        plsc.subcore_barrier()

        pos_cps = [
            pltpu.async_copy(
                pos_sh.at[pl.ds(p_local * R_PER_W + j * CHUNK, CHUNK)],
                rows_v.at[pl.ds(j * CHUNK, CHUNK)],
                sem_pos[j],
            )
            for j in range(N_CHUNKS)
        ]
        idx_cp.wait()

        gathers = []
        for j in range(N_CHUNKS):
            pos_cps[j].wait()
            gathers.append(
                pltpu.async_copy(
                    table_hbm.at[idx_v.at[pl.ds(j * CHUNK, CHUNK)]],
                    rows_v.at[pl.ds(j * CHUNK, CHUNK)],
                    sem_g[j],
                    add=True,
                )
            )
        writes = []
        for j in range(N_CHUNKS):
            gathers[j].wait()
            writes.append(
                pltpu.async_copy(
                    rows_v.at[pl.ds(j * CHUNK, CHUNK)],
                    out_hbm.at[pl.ds(base + j * CHUNK, CHUNK)],
                    sem_io,
                )
            )
        for w in writes:
            w.wait()

    return body(token_ids_2d, token_table, pos_table)


def kernel(token_ids, token_table, pos_table):
    out = _sc_embed(token_ids.astype(jnp.int32), token_table, pos_table)
    return out.reshape(NBATCH, CONTEXT, EMBED)

# --- scband reference (transcript-rebuilt; emitter-appended) ---
"""Pipeline reference for scband-input-embedding-8452495638765 (READ-ONLY COPY).

The authoritative reference and input builder live on the scoring server;
editing this copy changes nothing except your own understanding.
"""

import jax, jax.numpy as jnp
import numpy as np

CONTEXT_LENGTH = 2048
VOCAB_SIZE = 100000
EMBED_LEN = 128
BATCH = 4

def setup_inputs(seed: int = 0) -> dict:
    key = jax.random.key(seed)
    k1, k2, k3 = jax.random.split(key, 3)
    token_ids = jax.random.randint(k1, (BATCH, CONTEXT_LENGTH), 0, VOCAB_SIZE, dtype=jnp.int64 if jax.config.jax_enable_x64 else jnp.int32)
    token_table = jax.random.normal(k2, (VOCAB_SIZE, EMBED_LEN), dtype=jnp.float32)
    pos_table = jax.random.normal(k3, (CONTEXT_LENGTH, EMBED_LEN), dtype=jnp.float32)
    return {"token_ids": token_ids, "token_table": token_table, "pos_table": pos_table}

def reference(token_ids, token_table, pos_table):
    # token embedding: gather rows from token_table
    token_embedding = jnp.take(token_table, token_ids, axis=0)  # [B, L, D]
    # positional embedding: gather rows 0..context_length-1
    pos_indices = jnp.arange(CONTEXT_LENGTH)
    pos_embedding = jnp.take(pos_table, pos_indices, axis=0)  # [L, D]
    final_embedding = token_embedding + pos_embedding[None, :, :]
    return final_embedding

if __name__ == "__main__":
    import jax
    _d = setup_inputs()
    print(jax.jit(kernel)(*tuple(_d.values())))

</pallas_src>

<mosaic_0001>
#map = affine_map<(d0, d1) -> (0, 0)>
module attributes {stable_mosaic.version = 14 : i64} {
  func.func @body(%arg0: i32, %arg1: i32, %arg2: memref<4x2048xi32, #tpu.memory_space<hbm>>, %arg3: memref<100000x128xf32, #tpu.memory_space<hbm>>, %arg4: memref<2048x128xf32, #tpu.memory_space<hbm>>, %arg5: memref<8192x128xf32, #tpu.memory_space<hbm>>, %arg6: memref<256xi32, #tpu.memory_space<vmem>>, %arg7: memref<256x128xf32, #tpu.memory_space<vmem>>, %arg8: memref<1024x128xf32, #tpu.memory_space<vmem_shared>>, %arg9: memref<!tpu.dma_semaphore, #tpu.memory_space<semaphore_mem>>, %arg10: memref<!tpu.dma_semaphore, #tpu.memory_space<semaphore_mem>>, %arg11: memref<!tpu.dma_semaphore, #tpu.memory_space<semaphore_mem>>, %arg12: memref<!tpu.dma_semaphore, #tpu.memory_space<semaphore_mem>>, %arg13: memref<!tpu.dma_semaphore, #tpu.memory_space<semaphore_mem>>, %arg14: memref<!tpu.dma_semaphore, #tpu.memory_space<semaphore_mem>>, %arg15: memref<!tpu.dma_semaphore, #tpu.memory_space<semaphore_mem>>, %arg16: memref<!tpu.dma_semaphore, #tpu.memory_space<semaphore_mem>>, %arg17: memref<!tpu.dma_semaphore, #tpu.memory_space<semaphore_mem>>) attributes {dimension_semantics = [#tpu.dimension_semantics<core_parallel>, #tpu.dimension_semantics<subcore_parallel>], iteration_bounds = array<i64: 2, 16>, scalar_prefetch = 0 : i64, scratch_operands = 12 : i64, tpu.core_type = #tpu.core_type<sc_vector_subcore>, window_params = [{transform_indices = #map}, {transform_indices = #map}, {transform_indices = #map}, {transform_indices = #map}]} {
    %jit3A = arith.constant 4 : i32
    %div3A = arith.divsi %arg1, %jit3A : i32
    %sign3A = arith.constant 0 : i32
    %sign3A_0 = arith.cmpi sgt, %arg1, %sign3A : i32
    %sign3A_1 = arith.extui %sign3A_0 : i1 to i32
    %sign3A_2 = arith.constant 0 : i32
    %sign3A_3 = arith.cmpi slt, %arg1, %sign3A_2 : i32
    %sign3A_4 = arith.extui %sign3A_3 : i1 to i32
    %sign3A_5 = arith.subi %sign3A_1, %sign3A_4 : i32
    %sign3A_6 = arith.constant 0 : i32
    %sign3A_7 = arith.cmpi sgt, %jit3A, %sign3A_6 : i32
    %sign3A_8 = arith.extui %sign3A_7 : i1 to i32
    %sign3A_9 = arith.constant 0 : i32
    %sign3A_10 = arith.cmpi slt, %jit3A, %sign3A_9 : i32
    %sign3A_11 = arith.extui %sign3A_10 : i1 to i32
    %sign3A_12 = arith.subi %sign3A_8, %sign3A_11 : i32
    %ne3A = arith.cmpi ne, %sign3A_5, %sign3A_12 : i32
    %rem3A = arith.remsi %arg1, %jit3A : i32
    %ne3A_13 = arith.constant 0 : i32
    %ne3A_14 = arith.cmpi ne, %rem3A, %ne3A_13 : i32
    %and3A = arith.andi %ne3A, %ne3A_14 : i1
    %sub3A = arith.constant 1 : i32
    %sub3A_15 = arith.subi %div3A, %sub3A : i32
    %select_n3A = arith.select %and3A, %sub3A_15, %div3A : i32
    %rem3A_16 = arith.constant 4 : i32
    %rem3A_17 = arith.remsi %arg1, %rem3A_16 : i32
    %mul3A = arith.constant 4 : i32
    %mul3A_18 = arith.muli %mul3A, %arg0 : i32
    %add3A = arith.addi %mul3A_18, %rem3A_17 : i32
    %mul3A_19 = arith.constant 8 : i32
    %mul3A_20 = arith.muli %select_n3A, %mul3A_19 : i32
    %add3A_21 = arith.addi %mul3A_20, %add3A : i32
    %mul3A_22 = arith.constant 256 : i32
    %mul3A_23 = arith.muli %add3A_21, %mul3A_22 : i32
    %mul3A_24 = arith.constant 256 : i32
    %mul3A_25 = arith.muli %add3A, %mul3A_24 : i32
    %dma_start3A = tpu.memref_slice %arg2[%select_n3A, %mul3A_25] : memref<4x2048xi32, #tpu.memory_space<hbm>> -> memref<1x256xi32, #tpu.memory_space<hbm>>
    %dma_start3A_26 = tpu.memref_squeeze %dma_start3A : memref<1x256xi32, #tpu.memory_space<hbm>> -> memref<256xi32, #tpu.memory_space<hbm>>
    %dma_start3A_27 = tpu.memref_slice %arg2[%select_n3A, %mul3A_25] : memref<4x2048xi32, #tpu.memory_space<hbm>> -> memref<1x256xi32, #tpu.memory_space<hbm>>
    %dma_start3A_28 = tpu.memref_squeeze %dma_start3A_27 : memref<1x256xi32, #tpu.memory_space<hbm>> -> memref<256xi32, #tpu.memory_space<hbm>>
    tpu.enqueue_dma source(%dma_start3A_28 : memref<256xi32, #tpu.memory_space<hbm>>) target(%arg6 : memref<256xi32, #tpu.memory_space<vmem>>) target_semaphore(%arg9 : memref<!tpu.dma_semaphore, #tpu.memory_space<semaphore_mem>>)
    %lt3A = arith.constant 4 : i32
    %lt3A_29 = arith.cmpi slt, %arg1, %lt3A : i32
    %convert_element_type3A = arith.extui %lt3A_29 : i1 to i32
    %cond3A = arith.constant 0 : i32
    %cond3A_30 = arith.cmpi ne, %convert_element_type3A, %cond3A : i32
    scf.if %cond3A_30 {
      %mul3A_282 = arith.constant 4 : i32
      %mul3A_283 = arith.muli %mul3A_282, %arg0 : i32
      %add3A_284 = arith.addi %mul3A_283, %arg1 : i32
      %mul3A_285 = arith.constant 256 : i32
      %mul3A_286 = arith.muli %add3A_284, %mul3A_285 : i32
      %mul3A_287 = arith.constant 256 : i32
      %mul3A_288 = arith.muli %arg1, %mul3A_287 : i32
      "tpu.region"() ({
        %run_scoped3A = tpu.sem_alloc : memref<!tpu.dma_semaphore, #tpu.memory_space<semaphore_mem>>
        %dma_start3A_289 = arith.constant 0 : i32
        %dma_start3A_290 = tpu.memref_slice %arg8[%mul3A_288, %dma_start3A_289] : memref<1024x128xf32, #tpu.memory_space<vmem_shared>> -> memref<256x128xf32, #tpu.memory_space<vmem_shared>>
        %dma_start3A_291 = arith.constant 0 : i32
        %dma_start3A_292 = tpu.memref_slice %arg4[%mul3A_286, %dma_start3A_291] : memref<2048x128xf32, #tpu.memory_space<hbm>> -> memref<256x128xf32, #tpu.memory_space<hbm>>
        tpu.enqueue_dma source(%dma_start3A_292 : memref<256x128xf32, #tpu.memory_space<hbm>>) target(%dma_start3A_290 : memref<256x128xf32, #tpu.memory_space<vmem_shared>>) target_semaphore(%run_scoped3A : memref<!tpu.dma_semaphore, #tpu.memory_space<semaphore_mem>>)
        %dma_wait3A_293 = arith.constant 0 : i32
        %dma_wait3A_294 = tpu.memref_slice %arg8[%mul3A_288, %dma_wait3A_293] : memref<1024x128xf32, #tpu.memory_space<vmem_shared>> -> memref<256x128xf32, #tpu.memory_space<vmem_shared>>
        %dma_wait3A_295 = arith.constant 0 : i32
        %dma_wait3A_296 = tpu.memref_slice %arg4[%mul3A_286, %dma_wait3A_295] : memref<2048x128xf32, #tpu.memory_space<hbm>> -> memref<256x128xf32, #tpu.memory_space<hbm>>
        tpu.wait_dma2 semaphore(%run_scoped3A : memref<!tpu.dma_semaphore, #tpu.memory_space<semaphore_mem>>) src(%dma_wait3A_296 : memref<256x128xf32, #tpu.memory_space<hbm>>) dst(%dma_wait3A_294 : memref<256x128xf32, #tpu.memory_space<vmem_shared>>)
        tpu.yield
      }) : () -> ()
    } else {
    }
    %barrier3A = arith.constant 0 : index
    tpu.barrier barrier_id(%barrier3A)
    %mul3A_31 = arith.constant 256 : i32
    %mul3A_32 = arith.muli %rem3A_17, %mul3A_31 : i32
    %add3A_33 = arith.constant 0 : i32
    %add3A_34 = arith.addi %mul3A_32, %add3A_33 : i32
    %dma_start3A_35 = arith.constant 0 : i32
    %dma_start3A_36 = arith.constant 0 : i32
    %dma_start3A_37 = tpu.memref_slice %arg7[%dma_start3A_35, %dma_start3A_36] : memref<256x128xf32, #tpu.memory_space<vmem>> -> memref<64x128xf32, #tpu.memory_space<vmem>>
    %dma_start3A_38 = arith.constant 0 : i32
    %dma_start3A_39 = tpu.memref_slice %arg8[%add3A_34, %dma_start3A_38] : memref<1024x128xf32, #tpu.memory_space<vmem_shared>> -> memref<64x128xf32, #tpu.memory_space<vmem_shared>>
    %dma_start3A_40 = arith.constant 0 : i32
    %dma_start3A_41 = arith.constant 0 : i32
    %dma_start3A_42 = tpu.memref_slice %arg7[%dma_start3A_40, %dma_start3A_41] : memref<256x128xf32, #tpu.memory_space<vmem>> -> memref<64x128xf32, #tpu.memory_space<vmem>>
    %dma_start3A_43 = arith.constant 0 : i32
    %dma_start3A_44 = tpu.memref_slice %arg8[%add3A_34, %dma_start3A_43] : memref<1024x128xf32, #tpu.memory_space<vmem_shared>> -> memref<64x128xf32, #tpu.memory_space<vmem_shared>>
    tpu.enqueue_dma source(%dma_start3A_44 : memref<64x128xf32, #tpu.memory_space<vmem_shared>>) target(%dma_start3A_42 : memref<64x128xf32, #tpu.memory_space<vmem>>) target_semaphore(%arg10 : memref<!tpu.dma_semaphore, #tpu.memory_space<semaphore_mem>>)
    %mul3A_45 = arith.constant 256 : i32
    %mul3A_46 = arith.muli %rem3A_17, %mul3A_45 : i32
    %add3A_47 = arith.constant 64 : i32
    %add3A_48 = arith.addi %mul3A_46, %add3A_47 : i32
    %dma_start3A_49 = arith.constant 64 : i32
    %dma_start3A_50 = arith.constant 0 : i32
    %dma_start3A_51 = tpu.memref_slice %arg7[%dma_start3A_49, %dma_start3A_50] : memref<256x128xf32, #tpu.memory_space<vmem>> -> memref<64x128xf32, #tpu.memory_space<vmem>>
    %dma_start3A_52 = arith.constant 0 : i32
    %dma_start3A_53 = tpu.memref_slice %arg8[%add3A_48, %dma_start3A_52] : memref<1024x128xf32, #tpu.memory_space<vmem_shared>> -> memref<64x128xf32, #tpu.memory_space<vmem_shared>>
    %dma_start3A_54 = arith.constant 64 : i32
    %dma_start3A_55 = arith.constant 0 : i32
    %dma_start3A_56 = tpu.memref_slice %arg7[%dma_start3A_54, %dma_start3A_55] : memref<256x128xf32, #tpu.memory_space<vmem>> -> memref<64x128xf32, #tpu.memory_space<vmem>>
    %dma_start3A_57 = arith.constant 0 : i32
    %dma_start3A_58 = tpu.memref_slice %arg8[%add3A_48, %dma_start3A_57] : memref<1024x128xf32, #tpu.memory_space<vmem_shared>> -> memref<64x128xf32, #tpu.memory_space<vmem_shared>>
    tpu.enqueue_dma source(%dma_start3A_58 : memref<64x128xf32, #tpu.memory_space<vmem_shared>>) target(%dma_start3A_56 : memref<64x128xf32, #tpu.memory_space<vmem>>) target_semaphore(%arg11 : memref<!tpu.dma_semaphore, #tpu.memory_space<semaphore_mem>>)
    %mul3A_59 = arith.constant 256 : i32
    %mul3A_60 = arith.muli %rem3A_17, %mul3A_59 : i32
    %add3A_61 = arith.constant 128 : i32
    %add3A_62 = arith.addi %mul3A_60, %add3A_61 : i32
    %dma_start3A_63 = arith.constant 128 : i32
    %dma_start3A_64 = arith.constant 0 : i32
    %dma_start3A_65 = tpu.memref_slice %arg7[%dma_start3A_63, %dma_start3A_64] : memref<256x128xf32, #tpu.memory_space<vmem>> -> memref<64x128xf32, #tpu.memory_space<vmem>>
    %dma_start3A_66 = arith.constant 0 : i32
    %dma_start3A_67 = tpu.memref_slice %arg8[%add3A_62, %dma_start3A_66] : memref<1024x128xf32, #tpu.memory_space<vmem_shared>> -> memref<64x128xf32, #tpu.memory_space<vmem_shared>>
    %dma_start3A_68 = arith.constant 128 : i32
    %dma_start3A_69 = arith.constant 0 : i32
    %dma_start3A_70 = tpu.memref_slice %arg7[%dma_start3A_68, %dma_start3A_69] : memref<256x128xf32, #tpu.memory_space<vmem>> -> memref<64x128xf32, #tpu.memory_space<vmem>>
    %dma_start3A_71 = arith.constant 0 : i32
    %dma_start3A_72 = tpu.memref_slice %arg8[%add3A_62, %dma_start3A_71] : memref<1024x128xf32, #tpu.memory_space<vmem_shared>> -> memref<64x128xf32, #tpu.memory_space<vmem_shared>>
    tpu.enqueue_dma source(%dma_start3A_72 : memref<64x128xf32, #tpu.memory_space<vmem_shared>>) target(%dma_start3A_70 : memref<64x128xf32, #tpu.memory_space<vmem>>) target_semaphore(%arg12 : memref<!tpu.dma_semaphore, #tpu.memory_space<semaphore_mem>>)
    %mul3A_73 = arith.constant 256 : i32
    %mul3A_74 = arith.muli %rem3A_17, %mul3A_73 : i32
    %add3A_75 = arith.constant 192 : i32
    %add3A_76 = arith.addi %mul3A_74, %add3A_75 : i32
    %dma_start3A_77 = arith.constant 192 : i32
    %dma_start3A_78 = arith.constant 0 : i32
    %dma_start3A_79 = tpu.memref_slice %arg7[%dma_start3A_77, %dma_start3A_78] : memref<256x128xf32, #tpu.memory_space<vmem>> -> memref<64x128xf32, #tpu.memory_space<vmem>>
    %dma_start3A_80 = arith.constant 0 : i32
    %dma_start3A_81 = tpu.memref_slice %arg8[%add3A_76, %dma_start3A_80] : memref<1024x128xf32, #tpu.memory_space<vmem_shared>> -> memref<64x128xf32, #tpu.memory_space<vmem_shared>>
    %dma_start3A_82 = arith.constant 192 : i32
    %dma_start3A_83 = arith.constant 0 : i32
    %dma_start3A_84 = tpu.memref_slice %arg7[%dma_start3A_82, %dma_start3A_83] : memref<256x128xf32, #tpu.memory_space<vmem>> -> memref<64x128xf32, #tpu.memory_space<vmem>>
    %dma_start3A_85 = arith.constant 0 : i32
    %dma_start3A_86 = tpu.memref_slice %arg8[%add3A_76, %dma_start3A_85] : memref<1024x128xf32, #tpu.memory_space<vmem_shared>> -> memref<64x128xf32, #tpu.memory_space<vmem_shared>>
    tpu.enqueue_dma source(%dma_start3A_86 : memref<64x128xf32, #tpu.memory_space<vmem_shared>>) target(%dma_start3A_84 : memref<64x128xf32, #tpu.memory_space<vmem>>) target_semaphore(%arg13 : memref<!tpu.dma_semaphore, #tpu.memory_space<semaphore_mem>>)
    %dma_wait3A = tpu.memref_slice %arg2[%select_n3A, %mul3A_25] : memref<4x2048xi32, #tpu.memory_space<hbm>> -> memref<1x256xi32, #tpu.memory_space<hbm>>
    %dma_wait3A_87 = tpu.memref_squeeze %dma_wait3A : memref<1x256xi32, #tpu.memory_space<hbm>> -> memref<256xi32, #tpu.memory_space<hbm>>
    %dma_wait3A_88 = tpu.memref_slice %arg2[%select_n3A, %mul3A_25] : memref<4x2048xi32, #tpu.memory_space<hbm>> -> memref<1x256xi32, #tpu.memory_space<hbm>>
    %dma_wait3A_89 = tpu.memref_squeeze %dma_wait3A_88 : memref<1x256xi32, #tpu.memory_space<hbm>> -> memref<256xi32, #tpu.memory_space<hbm>>
    tpu.wait_dma2 semaphore(%arg9 : memref<!tpu.dma_semaphore, #tpu.memory_space<semaphore_mem>>) src(%dma_wait3A_89 : memref<256xi32, #tpu.memory_space<hbm>>) dst(%arg6 : memref<256xi32, #tpu.memory_space<vmem>>)
    %dma_wait3A_90 = arith.constant 0 : i32
    %dma_wait3A_91 = arith.constant 0 : i32
    %dma_wait3A_92 = tpu.memref_slice %arg7[%dma_wait3A_90, %dma_wait3A_91] : memref<256x128xf32, #tpu.memory_space<vmem>> -> memref<64x128xf32, #tpu.memory_space<vmem>>
    %dma_wait3A_93 = arith.constant 0 : i32
    %dma_wait3A_94 = tpu.memref_slice %arg8[%add3A_34, %dma_wait3A_93] : memref<1024x128xf32, #tpu.memory_space<vmem_shared>> -> memref<64x128xf32, #tpu.memory_space<vmem_shared>>
    %dma_wait3A_95 = arith.constant 0 : i32
    %dma_wait3A_96 = arith.constant 0 : i32
    %dma_wait3A_97 = tpu.memref_slice %arg7[%dma_wait3A_95, %dma_wait3A_96] : memref<256x128xf32, #tpu.memory_space<vmem>> -> memref<64x128xf32, #tpu.memory_space<vmem>>
    %dma_wait3A_98 = arith.constant 0 : i32
    %dma_wait3A_99 = tpu.memref_slice %arg8[%add3A_34, %dma_wait3A_98] : memref<1024x128xf32, #tpu.memory_space<vmem_shared>> -> memref<64x128xf32, #tpu.memory_space<vmem_shared>>
    tpu.wait_dma2 semaphore(%arg10 : memref<!tpu.dma_semaphore, #tpu.memory_space<semaphore_mem>>) src(%dma_wait3A_99 : memref<64x128xf32, #tpu.memory_space<vmem_shared>>) dst(%dma_wait3A_97 : memref<64x128xf32, #tpu.memory_space<vmem>>)
    %dma_start3A_100 = arith.constant 0 : i32
    %dma_start3A_101 = arith.constant 0 : i32
    %dma_start3A_102 = tpu.memref_slice %arg7[%dma_start3A_100, %dma_start3A_101] : memref<256x128xf32, #tpu.memory_space<vmem>> -> memref<64x128xf32, #tpu.memory_space<vmem>>
    %dma_start3A_103 = arith.constant 0 : i32
    %dma_start3A_104 = tpu.memref_slice %arg6[%dma_start3A_103] : memref<256xi32, #tpu.memory_space<vmem>> -> memref<64xi32, #tpu.memory_space<vmem>>
    %dma_start3A_105 = arith.constant 0 : i32
    %dma_start3A_106 = arith.constant 0 : i32
    %dma_start3A_107 = tpu.memref_slice %arg3[%dma_start3A_105, %dma_start3A_106] : memref<100000x128xf32, #tpu.memory_space<hbm>> -> memref<100000x128xf32, #tpu.memory_space<hbm>>
    tpu.enqueue_indirect_dma source(%dma_start3A_107 : memref<100000x128xf32, #tpu.memory_space<hbm>>) target(%dma_start3A_102 : memref<64x128xf32, #tpu.memory_space<vmem>>) offsets(%dma_start3A_104 : memref<64xi32, #tpu.memory_space<vmem>>) semaphore(%arg14 : memref<!tpu.dma_semaphore, #tpu.memory_space<semaphore_mem>>) {add = true}
    %dma_wait3A_108 = arith.constant 64 : i32
    %dma_wait3A_109 = arith.constant 0 : i32
    %dma_wait3A_110 = tpu.memref_slice %arg7[%dma_wait3A_108, %dma_wait3A_109] : memref<256x128xf32, #tpu.memory_space<vmem>> -> memref<64x128xf32, #tpu.memory_space<vmem>>
    %dma_wait3A_111 = arith.constant 0 : i32
    %dma_wait3A_112 = tpu.memref_slice %arg8[%add3A_48, %dma_wait3A_111] : memref<1024x128xf32, #tpu.memory_space<vmem_shared>> -> memref<64x128xf32, #tpu.memory_space<vmem_shared>>
    %dma_wait3A_113 = arith.constant 64 : i32
    %dma_wait3A_114 = arith.constant 0 : i32
    %dma_wait3A_115 = tpu.memref_slice %arg7[%dma_wait3A_113, %dma_wait3A_114] : memref<256x128xf32, #tpu.memory_space<vmem>> -> memref<64x128xf32, #tpu.memory_space<vmem>>
    %dma_wait3A_116 = arith.constant 0 : i32
    %dma_wait3A_117 = tpu.memref_slice %arg8[%add3A_48, %dma_wait3A_116] : memref<1024x128xf32, #tpu.memory_space<vmem_shared>> -> memref<64x128xf32, #tpu.memory_space<vmem_shared>>
    tpu.wait_dma2 semaphore(%arg11 : memref<!tpu.dma_semaphore, #tpu.memory_space<semaphore_mem>>) src(%dma_wait3A_117 : memref<64x128xf32, #tpu.memory_space<vmem_shared>>) dst(%dma_wait3A_115 : memref<64x128xf32, #tpu.memory_space<vmem>>)
    %dma_start3A_118 = arith.constant 64 : i32
    %dma_start3A_119 = arith.constant 0 : i32
    %dma_start3A_120 = tpu.memref_slice %arg7[%dma_start3A_118, %dma_start3A_119] : memref<256x128xf32, #tpu.memory_space<vmem>> -> memref<64x128xf32, #tpu.memory_space<vmem>>
    %dma_start3A_121 = arith.constant 64 : i32
    %dma_start3A_122 = tpu.memref_slice %arg6[%dma_start3A_121] : memref<256xi32, #tpu.memory_space<vmem>> -> memref<64xi32, #tpu.memory_space<vmem>>
    %dma_start3A_123 = arith.constant 0 : i32
    %dma_start3A_124 = arith.constant 0 : i32
    %dma_start3A_125 = tpu.memref_slice %arg3[%dma_start3A_123, %dma_start3A_124] : memref<100000x128xf32, #tpu.memory_space<hbm>> -> memref<100000x128xf32, #tpu.memory_space<hbm>>
    tpu.enqueue_indirect_dma source(%dma_start3A_125 : memref<100000x128xf32, #tpu.memory_space<hbm>>) target(%dma_start3A_120 : memref<64x128xf32, #tpu.memory_space<vmem>>) offsets(%dma_start3A_122 : memref<64xi32, #tpu.memory_space<vmem>>) semaphore(%arg15 : memref<!tpu.dma_semaphore, #tpu.memory_space<semaphore_mem>>) {add = true}
    %dma_wait3A_126 = arith.constant 128 : i32
    %dma_wait3A_127 = arith.constant 0 : i32
    %dma_wait3A_128 = tpu.memref_slice %arg7[%dma_wait3A_126, %dma_wait3A_127] : memref<256x128xf32, #tpu.memory_space<vmem>> -> memref<64x128xf32, #tpu.memory_space<vmem>>
    %dma_wait3A_129 = arith.constant 0 : i32
    %dma_wait3A_130 = tpu.memref_slice %arg8[%add3A_62, %dma_wait3A_129] : memref<1024x128xf32, #tpu.memory_space<vmem_shared>> -> memref<64x128xf32, #tpu.memory_space<vmem_shared>>
    %dma_wait3A_131 = arith.constant 128 : i32
    %dma_wait3A_132 = arith.constant 0 : i32
    %dma_wait3A_133 = tpu.memref_slice %arg7[%dma_wait3A_131, %dma_wait3A_132] : memref<256x128xf32, #tpu.memory_space<vmem>> -> memref<64x128xf32, #tpu.memory_space<vmem>>
    %dma_wait3A_134 = arith.constant 0 : i32
    %dma_wait3A_135 = tpu.memref_slice %arg8[%add3A_62, %dma_wait3A_134] : memref<1024x128xf32, #tpu.memory_space<vmem_shared>> -> memref<64x128xf32, #tpu.memory_space<vmem_shared>>
    tpu.wait_dma2 semaphore(%arg12 : memref<!tpu.dma_semaphore, #tpu.memory_space<semaphore_mem>>) src(%dma_wait3A_135 : memref<64x128xf32, #tpu.memory_space<vmem_shared>>) dst(%dma_wait3A_133 : memref<64x128xf32, #tpu.memory_space<vmem>>)
    %dma_start3A_136 = arith.constant 128 : i32
    %dma_start3A_137 = arith.constant 0 : i32
    %dma_start3A_138 = tpu.memref_slice %arg7[%dma_start3A_136, %dma_start3A_137] : memref<256x128xf32, #tpu.memory_space<vmem>> -> memref<64x128xf32, #tpu.memory_space<vmem>>
    %dma_start3A_139 = arith.constant 128 : i32
    %dma_start3A_140 = tpu.memref_slice %arg6[%dma_start3A_139] : memref<256xi32, #tpu.memory_space<vmem>> -> memref<64xi32, #tpu.memory_space<vmem>>
    %dma_start3A_141 = arith.constant 0 : i32
    %dma_start3A_142 = arith.constant 0 : i32
    %dma_start3A_143 = tpu.memref_slice %arg3[%dma_start3A_141, %dma_start3A_142] : memref<100000x128xf32, #tpu.memory_space<hbm>> -> memref<100000x128xf32, #tpu.memory_space<hbm>>
    tpu.enqueue_indirect_dma source(%dma_start3A_143 : memref<100000x128xf32, #tpu.memory_space<hbm>>) target(%dma_start3A_138 : memref<64x128xf32, #tpu.memory_space<vmem>>) offsets(%dma_start3A_140 : memref<64xi32, #tpu.memory_space<vmem>>) semaphore(%arg16 : memref<!tpu.dma_semaphore, #tpu.memory_space<semaphore_mem>>) {add = true}
    %dma_wait3A_144 = arith.constant 192 : i32
    %dma_wait3A_145 = arith.constant 0 : i32
    %dma_wait3A_146 = tpu.memref_slice %arg7[%dma_wait3A_144, %dma_wait3A_145] : memref<256x128xf32, #tpu.memory_space<vmem>> -> memref<64x128xf32, #tpu.memory_space<vmem>>
    %dma_wait3A_147 = arith.constant 0 : i32
    %dma_wait3A_148 = tpu.memref_slice %arg8[%add3A_76, %dma_wait3A_147] : memref<1024x128xf32, #tpu.memory_space<vmem_shared>> -> memref<64x128xf32, #tpu.memory_space<vmem_shared>>
    %dma_wait3A_149 = arith.constant 192 : i32
    %dma_wait3A_150 = arith.constant 0 : i32
    %dma_wait3A_151 = tpu.memref_slice %arg7[%dma_wait3A_149, %dma_wait3A_150] : memref<256x128xf32, #tpu.memory_space<vmem>> -> memref<64x128xf32, #tpu.memory_space<vmem>>
    %dma_wait3A_152 = arith.constant 0 : i32
    %dma_wait3A_153 = tpu.memref_slice %arg8[%add3A_76, %dma_wait3A_152] : memref<1024x128xf32, #tpu.memory_space<vmem_shared>> -> memref<64x128xf32, #tpu.memory_space<vmem_shared>>
    tpu.wait_dma2 semaphore(%arg13 : memref<!tpu.dma_semaphore, #tpu.memory_space<semaphore_mem>>) src(%dma_wait3A_153 : memref<64x128xf32, #tpu.memory_space<vmem_shared>>) dst(%dma_wait3A_151 : memref<64x128xf32, #tpu.memory_space<vmem>>)
    %dma_start3A_154 = arith.constant 192 : i32
    %dma_start3A_155 = arith.constant 0 : i32
    %dma_start3A_156 = tpu.memref_slice %arg7[%dma_start3A_154, %dma_start3A_155] : memref<256x128xf32, #tpu.memory_space<vmem>> -> memref<64x128xf32, #tpu.memory_space<vmem>>
    %dma_start3A_157 = arith.constant 192 : i32
    %dma_start3A_158 = tpu.memref_slice %arg6[%dma_start3A_157] : memref<256xi32, #tpu.memory_space<vmem>> -> memref<64xi32, #tpu.memory_space<vmem>>
    %dma_start3A_159 = arith.constant 0 : i32
    %dma_start3A_160 = arith.constant 0 : i32
    %dma_start3A_161 = tpu.memref_slice %arg3[%dma_start3A_159, %dma_start3A_160] : memref<100000x128xf32, #tpu.memory_space<hbm>> -> memref<100000x128xf32, #tpu.memory_space<hbm>>
    tpu.enqueue_indirect_dma source(%dma_start3A_161 : memref<100000x128xf32, #tpu.memory_space<hbm>>) target(%dma_start3A_156 : memref<64x128xf32, #tpu.memory_space<vmem>>) offsets(%dma_start3A_158 : memref<64xi32, #tpu.memory_space<vmem>>) semaphore(%arg17 : memref<!tpu.dma_semaphore, #tpu.memory_space<semaphore_mem>>) {add = true}
    %dma_wait3A_162 = arith.constant 0 : i32
    %dma_wait3A_163 = arith.constant 0 : i32
    %dma_wait3A_164 = tpu.memref_slice %arg7[%dma_wait3A_162, %dma_wait3A_163] : memref<256x128xf32, #tpu.memory_space<vmem>> -> memref<64x128xf32, #tpu.memory_space<vmem>>
    %dma_wait3A_165 = arith.constant 0 : i32
    %dma_wait3A_166 = tpu.memref_slice %arg6[%dma_wait3A_165] : memref<256xi32, #tpu.memory_space<vmem>> -> memref<64xi32, #tpu.memory_space<vmem>>
    %dma_wait3A_167 = arith.constant 0 : i32
    %dma_wait3A_168 = arith.constant 0 : i32
    %dma_wait3A_169 = tpu.memref_slice %arg3[%dma_wait3A_167, %dma_wait3A_168] : memref<100000x128xf32, #tpu.memory_space<hbm>> -> memref<100000x128xf32, #tpu.memory_space<hbm>>
    tpu.wait_indirect_dma semaphore(%arg14 : memref<!tpu.dma_semaphore, #tpu.memory_space<semaphore_mem>>) src(%dma_wait3A_169 : memref<100000x128xf32, #tpu.memory_space<hbm>>) dst(%dma_wait3A_164 : memref<64x128xf32, #tpu.memory_space<vmem>>)
    %add3A_170 = arith.constant 0 : i32
    %add3A_171 = arith.addi %mul3A_23, %add3A_170 : i32
    %dma_start3A_172 = arith.constant 0 : i32
    %dma_start3A_173 = arith.constant 0 : i32
    %dma_start3A_174 = tpu.memref_slice %arg7[%dma_start3A_172, %dma_start3A_173] : memref<256x128xf32, #tpu.memory_space<vmem>> -> memref<64x128xf32, #tpu.memory_space<vmem>>
    %dma_start3A_175 = arith.constant 0 : i32
    %dma_start3A_176 = tpu.memref_slice %arg5[%add3A_171, %dma_start3A_175] : memref<8192x128xf32, #tpu.memory_space<hbm>> -> memref<64x128xf32, #tpu.memory_space<hbm>>
    %dma_start3A_177 = arith.constant 0 : i32
    %dma_start3A_178 = tpu.memref_slice %arg5[%add3A_171, %dma_start3A_177] : memref<8192x128xf32, #tpu.memory_space<hbm>> -> memref<64x128xf32, #tpu.memory_space<hbm>>
    %dma_start3A_179 = arith.constant 0 : i32
    %dma_start3A_180 = arith.constant 0 : i32
    %dma_start3A_181 = tpu.memref_slice %arg7[%dma_start3A_179, %dma_start3A_180] : memref<256x128xf32, #tpu.memory_space<vmem>> -> memref<64x128xf32, #tpu.memory_space<vmem>>
    tpu.enqueue_dma source(%dma_start3A_181 : memref<64x128xf32, #tpu.memory_space<vmem>>) target(%dma_start3A_178 : memref<64x128xf32, #tpu.memory_space<hbm>>) target_semaphore(%arg9 : memref<!tpu.dma_semaphore, #tpu.memory_space<semaphore_mem>>)
    %dma_wait3A_182 = arith.constant 64 : i32
    %dma_wait3A_183 = arith.constant 0 : i32
    %dma_wait3A_184 = tpu.memref_slice %arg7[%dma_wait3A_182, %dma_wait3A_183] : memref<256x128xf32, #tpu.memory_space<vmem>> -> memref<64x128xf32, #tpu.memory_space<vmem>>
    %dma_wait3A_185 = arith.constant 64 : i32
    %dma_wait3A_186 = tpu.memref_slice %arg6[%dma_wait3A_185] : memref<256xi32, #tpu.memory_space<vmem>> -> memref<64xi32, #tpu.memory_space<vmem>>
    %dma_wait3A_187 = arith.constant 0 : i32
    %dma_wait3A_188 = arith.constant 0 : i32
    %dma_wait3A_189 = tpu.memref_slice %arg3[%dma_wait3A_187, %dma_wait3A_188] : memref<100000x128xf32, #tpu.memory_space<hbm>> -> memref<100000x128xf32, #tpu.memory_space<hbm>>
    tpu.wait_indirect_dma semaphore(%arg15 : memref<!tpu.dma_semaphore, #tpu.memory_space<semaphore_mem>>) src(%dma_wait3A_189 : memref<100000x128xf32, #tpu.memory_space<hbm>>) dst(%dma_wait3A_184 : memref<64x128xf32, #tpu.memory_space<vmem>>)
    %add3A_190 = arith.constant 64 : i32
    %add3A_191 = arith.addi %mul3A_23, %add3A_190 : i32
    %dma_start3A_192 = arith.constant 64 : i32
    %dma_start3A_193 = arith.constant 0 : i32
    %dma_start3A_194 = tpu.memref_slice %arg7[%dma_start3A_192, %dma_start3A_193] : memref<256x128xf32, #tpu.memory_space<vmem>> -> memref<64x128xf32, #tpu.memory_space<vmem>>
    %dma_start3A_195 = arith.constant 0 : i32
    %dma_start3A_196 = tpu.memref_slice %arg5[%add3A_191, %dma_start3A_195] : memref<8192x128xf32, #tpu.memory_space<hbm>> -> memref<64x128xf32, #tpu.memory_space<hbm>>
    %dma_start3A_197 = arith.constant 0 : i32
    %dma_start3A_198 = tpu.memref_slice %arg5[%add3A_191, %dma_start3A_197] : memref<8192x128xf32, #tpu.memory_space<hbm>> -> memref<64x128xf32, #tpu.memory_space<hbm>>
    %dma_start3A_199 = arith.constant 64 : i32
    %dma_start3A_200 = arith.constant 0 : i32
    %dma_start3A_201 = tpu.memref_slice %arg7[%dma_start3A_199, %dma_start3A_200] : memref<256x128xf32, #tpu.memory_space<vmem>> -> memref<64x128xf32, #tpu.memory_space<vmem>>
    tpu.enqueue_dma source(%dma_start3A_201 : memref<64x128xf32, #tpu.memory_space<vmem>>) target(%dma_start3A_198 : memref<64x128xf32, #tpu.memory_space<hbm>>) target_semaphore(%arg9 : memref<!tpu.dma_semaphore, #tpu.memory_space<semaphore_mem>>)
    %dma_wait3A_202 = arith.constant 128 : i32
    %dma_wait3A_203 = arith.constant 0 : i32
    %dma_wait3A_204 = tpu.memref_slice %arg7[%dma_wait3A_202, %dma_wait3A_203] : memref<256x128xf32, #tpu.memory_space<vmem>> -> memref<64x128xf32, #tpu.memory_space<vmem>>
    %dma_wait3A_205 = arith.constant 128 : i32
    %dma_wait3A_206 = tpu.memref_slice %arg6[%dma_wait3A_205] : memref<256xi32, #tpu.memory_space<vmem>> -> memref<64xi32, #tpu.memory_space<vmem>>
    %dma_wait3A_207 = arith.constant 0 : i32
    %dma_wait3A_208 = arith.constant 0 : i32
    %dma_wait3A_209 = tpu.memref_slice %arg3[%dma_wait3A_207, %dma_wait3A_208] : memref<100000x128xf32, #tpu.memory_space<hbm>> -> memref<100000x128xf32, #tpu.memory_space<hbm>>
    tpu.wait_indirect_dma semaphore(%arg16 : memref<!tpu.dma_semaphore, #tpu.memory_space<semaphore_mem>>) src(%dma_wait3A_209 : memref<100000x128xf32, #tpu.memory_space<hbm>>) dst(%dma_wait3A_204 : memref<64x128xf32, #tpu.memory_space<vmem>>)
    %add3A_210 = arith.constant 128 : i32
    %add3A_211 = arith.addi %mul3A_23, %add3A_210 : i32
    %dma_start3A_212 = arith.constant 128 : i32
    %dma_start3A_213 = arith.constant 0 : i32
    %dma_start3A_214 = tpu.memref_slice %arg7[%dma_start3A_212, %dma_start3A_213] : memref<256x128xf32, #tpu.memory_space<vmem>> -> memref<64x128xf32, #tpu.memory_space<vmem>>
    %dma_start3A_215 = arith.constant 0 : i32
    %dma_start3A_216 = tpu.memref_slice %arg5[%add3A_211, %dma_start3A_215] : memref<8192x128xf32, #tpu.memory_space<hbm>> -> memref<64x128xf32, #tpu.memory_space<hbm>>
    %dma_start3A_217 = arith.constant 0 : i32
    %dma_start3A_218 = tpu.memref_slice %arg5[%add3A_211, %dma_start3A_217] : memref<8192x128xf32, #tpu.memory_space<hbm>> -> memref<64x128xf32, #tpu.memory_space<hbm>>
    %dma_start3A_219 = arith.constant 128 : i32
    %dma_start3A_220 = arith.constant 0 : i32
    %dma_start3A_221 = tpu.memref_slice %arg7[%dma_start3A_219, %dma_start3A_220] : memref<256x128xf32, #tpu.memory_space<vmem>> -> memref<64x128xf32, #tpu.memory_space<vmem>>
    tpu.enqueue_dma source(%dma_start3A_221 : memref<64x128xf32, #tpu.memory_space<vmem>>) target(%dma_start3A_218 : memref<64x128xf32, #tpu.memory_space<hbm>>) target_semaphore(%arg9 : memref<!tpu.dma_semaphore, #tpu.memory_space<semaphore_mem>>)
    %dma_wait3A_222 = arith.constant 192 : i32
    %dma_wait3A_223 = arith.constant 0 : i32
    %dma_wait3A_224 = tpu.memref_slice %arg7[%dma_wait3A_222, %dma_wait3A_223] : memref<256x128xf32, #tpu.memory_space<vmem>> -> memref<64x128xf32, #tpu.memory_space<vmem>>
    %dma_wait3A_225 = arith.constant 192 : i32
    %dma_wait3A_226 = tpu.memref_slice %arg6[%dma_wait3A_225] : memref<256xi32, #tpu.memory_space<vmem>> -> memref<64xi32, #tpu.memory_space<vmem>>
    %dma_wait3A_227 = arith.constant 0 : i32
    %dma_wait3A_228 = arith.constant 0 : i32
    %dma_wait3A_229 = tpu.memref_slice %arg3[%dma_wait3A_227, %dma_wait3A_228] : memref<100000x128xf32, #tpu.memory_space<hbm>> -> memref<100000x128xf32, #tpu.memory_space<hbm>>
    tpu.wait_indirect_dma semaphore(%arg17 : memref<!tpu.dma_semaphore, #tpu.memory_space<semaphore_mem>>) src(%dma_wait3A_229 : memref<100000x128xf32, #tpu.memory_space<hbm>>) dst(%dma_wait3A_224 : memref<64x128xf32, #tpu.memory_space<vmem>>)
    %add3A_230 = arith.constant 192 : i32
    %add3A_231 = arith.addi %mul3A_23, %add3A_230 : i32
    %dma_start3A_232 = arith.constant 192 : i32
    %dma_start3A_233 = arith.constant 0 : i32
    %dma_start3A_234 = tpu.memref_slice %arg7[%dma_start3A_232, %dma_start3A_233] : memref<256x128xf32, #tpu.memory_space<vmem>> -> memref<64x128xf32, #tpu.memory_space<vmem>>
    %dma_start3A_235 = arith.constant 0 : i32
    %dma_start3A_236 = tpu.memref_slice %arg5[%add3A_231, %dma_start3A_235] : memref<8192x128xf32, #tpu.memory_space<hbm>> -> memref<64x128xf32, #tpu.memory_space<hbm>>
    %dma_start3A_237 = arith.constant 0 : i32
    %dma_start3A_238 = tpu.memref_slice %arg5[%add3A_231, %dma_start3A_237] : memref<8192x128xf32, #tpu.memory_space<hbm>> -> memref<64x128xf32, #tpu.memory_space<hbm>>
    %dma_start3A_239 = arith.constant 192 : i32
    %dma_start3A_240 = arith.constant 0 : i32
    %dma_start3A_241 = tpu.memref_slice %arg7[%dma_start3A_239, %dma_start3A_240] : memref<256x128xf32, #tpu.memory_space<vmem>> -> memref<64x128xf32, #tpu.memory_space<vmem>>
    tpu.enqueue_dma source(%dma_start3A_241 : memref<64x128xf32, #tpu.memory_space<vmem>>) target(%dma_start3A_238 : memref<64x128xf32, #tpu.memory_space<hbm>>) target_semaphore(%arg9 : memref<!tpu.dma_semaphore, #tpu.memory_space<semaphore_mem>>)
    %dma_wait3A_242 = arith.constant 0 : i32
    %dma_wait3A_243 = arith.constant 0 : i32
    %dma_wait3A_244 = tpu.memref_slice %arg7[%dma_wait3A_242, %dma_wait3A_243] : memref<256x128xf32, #tpu.memory_space<vmem>> -> memref<64x128xf32, #tpu.memory_space<vmem>>
    %dma_wait3A_245 = arith.constant 0 : i32
    %dma_wait3A_246 = tpu.memref_slice %arg5[%add3A_171, %dma_wait3A_245] : memref<8192x128xf32, #tpu.memory_space<hbm>> -> memref<64x128xf32, #tpu.memory_space<hbm>>
    %dma_wait3A_247 = arith.constant 0 : i32
    %dma_wait3A_248 = tpu.memref_slice %arg5[%add3A_171, %dma_wait3A_247] : memref<8192x128xf32, #tpu.memory_space<hbm>> -> memref<64x128xf32, #tpu.memory_space<hbm>>
    %dma_wait3A_249 = arith.constant 0 : i32
    %dma_wait3A_250 = arith.constant 0 : i32
    %dma_wait3A_251 = tpu.memref_slice %arg7[%dma_wait3A_249, %dma_wait3A_250] : memref<256x128xf32, #tpu.memory_space<vmem>> -> memref<64x128xf32, #tpu.memory_space<vmem>>
    tpu.wait_dma2 semaphore(%arg9 : memref<!tpu.dma_semaphore, #tpu.memory_space<semaphore_mem>>) src(%dma_wait3A_251 : memref<64x128xf32, #tpu.memory_space<vmem>>) dst(%dma_wait3A_248 : memref<64x128xf32, #tpu.memory_space<hbm>>)
    %dma_wait3A_252 = arith.constant 64 : i32
    %dma_wait3A_253 = arith.constant 0 : i32
    %dma_wait3A_254 = tpu.memref_slice %arg7[%dma_wait3A_252, %dma_wait3A_253] : memref<256x128xf32, #tpu.memory_space<vmem>> -> memref<64x128xf32, #tpu.memory_space<vmem>>
    %dma_wait3A_255 = arith.constant 0 : i32
    %dma_wait3A_256 = tpu.memref_slice %arg5[%add3A_191, %dma_wait3A_255] : memref<8192x128xf32, #tpu.memory_space<hbm>> -> memref<64x128xf32, #tpu.memory_space<hbm>>
    %dma_wait3A_257 = arith.constant 0 : i32
    %dma_wait3A_258 = tpu.memref_slice %arg5[%add3A_191, %dma_wait3A_257] : memref<8192x128xf32, #tpu.memory_space<hbm>> -> memref<64x128xf32, #tpu.memory_space<hbm>>
    %dma_wait3A_259 = arith.constant 64 : i32
    %dma_wait3A_260 = arith.constant 0 : i32
    %dma_wait3A_261 = tpu.memref_slice %arg7[%dma_wait3A_259, %dma_wait3A_260] : memref<256x128xf32, #tpu.memory_space<vmem>> -> memref<64x128xf32, #tpu.memory_space<vmem>>
    tpu.wait_dma2 semaphore(%arg9 : memref<!tpu.dma_semaphore, #tpu.memory_space<semaphore_mem>>) src(%dma_wait3A_261 : memref<64x128xf32, #tpu.memory_space<vmem>>) dst(%dma_wait3A_258 : memref<64x128xf32, #tpu.memory_space<hbm>>)
    %dma_wait3A_262 = arith.constant 128 : i32
    %dma_wait3A_263 = arith.constant 0 : i32
    %dma_wait3A_264 = tpu.memref_slice %arg7[%dma_wait3A_262, %dma_wait3A_263] : memref<256x128xf32, #tpu.memory_space<vmem>> -> memref<64x128xf32, #tpu.memory_space<vmem>>
    %dma_wait3A_265 = arith.constant 0 : i32
    %dma_wait3A_266 = tpu.memref_slice %arg5[%add3A_211, %dma_wait3A_265] : memref<8192x128xf32, #tpu.memory_space<hbm>> -> memref<64x128xf32, #tpu.memory_space<hbm>>
    %dma_wait3A_267 = arith.constant 0 : i32
    %dma_wait3A_268 = tpu.memref_slice %arg5[%add3A_211, %dma_wait3A_267] : memref<8192x128xf32, #tpu.memory_space<hbm>> -> memref<64x128xf32, #tpu.memory_space<hbm>>
    %dma_wait3A_269 = arith.constant 128 : i32
    %dma_wait3A_270 = arith.constant 0 : i32
    %dma_wait3A_271 = tpu.memref_slice %arg7[%dma_wait3A_269, %dma_wait3A_270] : memref<256x128xf32, #tpu.memory_space<vmem>> -> memref<64x128xf32, #tpu.memory_space<vmem>>
    tpu.wait_dma2 semaphore(%arg9 : memref<!tpu.dma_semaphore, #tpu.memory_space<semaphore_mem>>) src(%dma_wait3A_271 : memref<64x128xf32, #tpu.memory_space<vmem>>) dst(%dma_wait3A_268 : memref<64x128xf32, #tpu.memory_space<hbm>>)
    %dma_wait3A_272 = arith.constant 192 : i32
    %dma_wait3A_273 = arith.constant 0 : i32
    %dma_wait3A_274 = tpu.memref_slice %arg7[%dma_wait3A_272, %dma_wait3A_273] : memref<256x128xf32, #tpu.memory_space<vmem>> -> memref<64x128xf32, #tpu.memory_space<vmem>>
    %dma_wait3A_275 = arith.constant 0 : i32
    %dma_wait3A_276 = tpu.memref_slice %arg5[%add3A_231, %dma_wait3A_275] : memref<8192x128xf32, #tpu.memory_space<hbm>> -> memref<64x128xf32, #tpu.memory_space<hbm>>
    %dma_wait3A_277 = arith.constant 0 : i32
    %dma_wait3A_278 = tpu.memref_slice %arg5[%add3A_231, %dma_wait3A_277] : memref<8192x128xf32, #tpu.memory_space<hbm>> -> memref<64x128xf32, #tpu.memory_space<hbm>>
    %dma_wait3A_279 = arith.constant 192 : i32
    %dma_wait3A_280 = arith.constant 0 : i32
    %dma_wait3A_281 = tpu.memref_slice %arg7[%dma_wait3A_279, %dma_wait3A_280] : memref<256x128xf32, #tpu.memory_space<vmem>> -> memref<64x128xf32, #tpu.memory_space<vmem>>
    tpu.wait_dma2 semaphore(%arg9 : memref<!tpu.dma_semaphore, #tpu.memory_space<semaphore_mem>>) src(%dma_wait3A_281 : memref<64x128xf32, #tpu.memory_space<vmem>>) dst(%dma_wait3A_278 : memref<64x128xf32, #tpu.memory_space<hbm>>)
    return
  }
}

</mosaic_0001>

<sc_bundles>
// kernel: kernel.3.cloned.1.call-start
scs
__scs_entry_jumppad:
0x0: {  	(pc) =	sbr.rel $0x88, $3  }
0x1: {  	(tag) =	ssettag $0x0;
	lr =	simm.s32 $0x1  }
0x2: {  	[smem:$0x3F9E] =	sst lr;
	_ =	strace $0xD0000000  }
0x3: {  	_ = 	snop  }
0x4: {  	_ = 	snop  }
0x5: {  	_ = 	snop  }
0x6: {  	_ = 	snop  }
0x7: {  	_ = 	snop  }
__scs_overlays_trampoline_lowered:
0x8: {  	[smem:$0x3FAD] =	sst s0  }
0x9: {  	[smem:$0x3FAE] =	sst s1  }
0xa: {  	[smem:$0x3FAF] =	sst s2  }
0xb: {  	[smem:$0x3FB0] =	sst s3  }
0xc: {  	[smem:$0x3FB1] =	sst s4  }
0xd: {  	[smem:$0x3FB2] =	sst s5  }
0xe: {  	[smem:$0x3FB3] =	sst s6  }
0xf: {  	[smem:$0x3FB4] =	sst s7  }
0x10: {  	[smem:$0x3FB5] =	sst s8  }
0x11: {  	[smem:$0x3FB6] =	sst s9;
	s0 =	simm.s32 @!p0 $0x0  }
0x12: {  	s1 =	sld [smem:$0x3F9C];
	s0 =	simm.s32 @p0 $0x1  }
0x13: {  	[smem:$0x3FB7] =	sst s0;
	s0 =	simm.s32 @!p1 $0x0  }
0x14: {  	s2 =	sld [smem:$0x3F9B];
	s0 =	simm.s32 @p1 $0x1  }
0x15: {  	[smem:$0x3FB8] =	sst s0;
	s0 =	simm.s32 @!p2 $0x0  }
0x16: {  	s3 =	sld [smem:$0x3FDB];
	s0 =	simm.s32 @p2 $0x1  }
0x17: {  	s4 =	simm.s32 $0x1BF5;
	[smem:$0x3FBA] =	sst s0  }
0x18: {  	s0 =	sld [smem:$0x3F9D];
	_ =	swait.ge [sflag:s4], $0x0  }
0x19: {  	s7 =	sld [smem:$0x3F9E]  }
0x1a: {  	s8 =	sadd.s32 $0xFFFFE003, lr  }
0x1b: {  	s9 =	sadd.s32 $0xFFFFFEF7, lr;
	s5 =	simm.s32 $0xFFFFFFFF;
	p2 =	slt.u32 s8, $0xFFFFF086  }
0x1c: {  	p1 =	slt.u32 s9, $0xF7A;
	s5 =	simm.s32 @!p2 $0x0  }
0x1d: {  	s5 =	simm.s32 @p1 $0x1;
	p0 =	seq.s32 s7, s2  }
0x1e: {  	s7 =	smul.u32 @!p0 $0xF7A, s2;
	p2 =	seq.s32 @!p0 s5, $0x0  }
0x1f: {  	s9 =	smul.u32 $0xF7A, s1;
	s8 =	simm.s32 @!p0 $0x1BF5;
	p2 =	por !p2, p0  }
0x20: {  	[sflag:s8] =	ssyncset.s32 @!p0 $0xFFFFF086;
	s6 =	sadd.s32 @!p0 s3, s7;
	s7 =	simm.s32 @!p0 $0x108  }
0x21: {  	s3 =	sadd.s32 s3, s9;
	s6 =	sadd.s32 @!p0 $0x88, s6;
	s7 =	simm.s32 @p2 $0x1082  }
0x22: {  	[simem:s7], [sflag:s8] =	dma.local @!p0 [hbm:s6], $0xF7A  }
0x23: {  	s9 =	sor.u32 $0xD0000000, s2;
	s6 =	simm.s32 $0x108;
	_ =	swait.ge @!p0 [sflag:s8], $0x0  }
0x24: {  	s3 =	sadd.s32 $0x88, s3;
	s6 =	simm.s32 @!p1 $0x1082;
	[sflag:s4] =	ssyncset.s32 $0xFFFFF086  }
0x25: {  	[simem:s6], [sflag:s4] =	dma.local [hbm:s3], $0xF7A  }
0x26: {  	[smem:$0x3F9E] =	sst s1;
	(tag) =	ssettag s2;
	_ =	strace s9  }
0x27: {  	s1 =	sld [smem:$0x3FAE]  }
0x28: {  	s2 =	sld [smem:$0x3FAF]  }
0x29: {  	s4 =	sld [smem:$0x3FB1]  }
0x2a: {  	p0 =	seq.s32 s5, $0x0;
	s5 =	sld [smem:$0x3FB2]  }
0x2b: {  	s6 =	sld [smem:$0x3FB3]  }
0x2c: {  	s7 =	sld [smem:$0x3FB4]  }
0x2d: {  	s3 =	simm.s32 $0x108;
	s8 =	sld [smem:$0x3FB5]  }
0x2e: {  	s3 =	simm.s32 @!p0 $0x1082;
	s9 =	sld [smem:$0x3FB6]  }
0x2f: {  	lr =	sadd.s32 s0, s3;
	s0 =	sld [smem:$0x3FAD]  }
0x30: {  	s3 =	sld [smem:$0x3FB0]  }
0x31: {  	[smem:$0x3FB9] =	sst s10  }
0x32: {  	s10 =	sld [smem:$0x3FB7];
	_ =	sdelay $0x3  }
0x33: {  	p0 =	seq.s32 s10, $0x1;
	s10 =	sld [smem:$0x3FB9];
	_ =	sdelay $0x3  }
0x34: {  	[smem:$0x3FB9] =	sst s10  }
0x35: {  	s10 =	sld [smem:$0x3FB8];
	_ =	sdelay $0x3  }
0x36: {  	p1 =	seq.s32 s10, $0x1;
	s10 =	sld [smem:$0x3FB9];
	_ =	sdelay $0x3  }
0x37: {  	[smem:$0x3FB9] =	sst s10  }
0x38: {  	s10 =	sld [smem:$0x3FBA]  }
0x39: {  	_ = 	snop;
	(pc) =	sbr.ind lr, $3  }
0x3a: {  	_ = 	snop  }
0x3b: {  	_ = 	snop  }
0x3c: {  	p2 =	seq.s32 s10, $0x1;
	s10 =	sld [smem:$0x3FB9]  }
0x3d: {  	_ =	shalt  }
0x3e: {  	_ =	shalt  }
0x3f: {  	_ =	shalt  }
0x40: {  	_ =	shalt  }
0x41: {  	_ =	shalt  }
0x42: {  	_ =	shalt  }
0x43: {  	_ =	shalt  }
0x44: {  	_ =	shalt  }
0x45: {  	_ =	shalt  }
0x46: {  	_ =	shalt  }
0x47: {  	_ =	shalt  }
0x48: {  	_ =	shalt  }
0x49: {  	_ =	shalt  }
0x4a: {  	_ =	shalt  }
0x4b: {  	_ =	shalt  }
0x4c: {  	_ =	shalt  }
0x4d: {  	_ =	shalt  }
0x4e: {  	_ =	shalt  }
0x4f: {  	_ =	shalt  }
0x50: {  	_ =	shalt  }
0x51: {  	_ =	shalt  }
0x52: {  	_ =	shalt  }
0x53: {  	_ =	shalt  }
0x54: {  	_ =	shalt  }
0x55: {  	_ =	shalt  }
0x56: {  	_ =	shalt  }
0x57: {  	_ =	shalt  }
0x58: {  	_ =	shalt  }
0x59: {  	_ =	shalt  }
0x5a: {  	_ =	shalt  }
0x5b: {  	_ =	shalt  }
0x5c: {  	_ =	shalt  }
0x5d: {  	_ =	shalt  }
0x5e: {  	_ =	shalt  }
0x5f: {  	_ =	shalt  }
0x60: {  	_ =	shalt  }
0x61: {  	_ =	shalt  }
0x62: {  	_ =	shalt  }
0x63: {  	_ =	shalt  }
0x64: {  	_ =	shalt  }
0x65: {  	_ =	shalt  }
0x66: {  	_ =	shalt  }
0x67: {  	_ =	shalt  }
0x68: {  	_ =	shalt  }
0x69: {  	_ =	shalt  }
0x6a: {  	_ =	shalt  }
0x6b: {  	_ =	shalt  }
0x6c: {  	_ =	shalt  }
0x6d: {  	_ =	shalt  }
0x6e: {  	_ =	shalt  }
0x6f: {  	_ =	shalt  }
0x70: {  	_ =	shalt  }
0x71: {  	_ =	shalt  }
0x72: {  	_ =	shalt  }
0x73: {  	_ =	shalt  }
0x74: {  	_ =	shalt  }
0x75: {  	_ =	shalt  }
0x76: {  	_ =	shalt  }
0x77: {  	_ =	shalt  }
0x78: {  	_ =	shalt  }
0x79: {  	_ =	shalt  }
0x7a: {  	_ =	shalt  }
0x7b: {  	_ =	shalt  }
0x7c: {  	_ =	shalt  }
0x7d: {  	_ =	shalt  }
0x7e: {  	_ =	shalt  }
0x7f: {  	_ =	shalt  }
0x80: {  	_ =	shalt  }
0x81: {  	_ =	shalt  }
0x82: {  	_ =	shalt  }
0x83: {  	_ =	shalt  }
0x84: {  	_ =	shalt  }
0x85: {  	_ =	shalt  }
0x86: {  	_ =	shalt  }
0x87: {  	_ =	shalt  }
.Lfunc_end0:
.L_simem_size_0:
called_computation_lowered:
.L_overlay_start_0:
0x88: {  	s2 =	sld [smem:$0x3FD9]  }
0x89: {  	s3 =	sld [smem:$0x3FFE];
	_ =	sdelay $0x1  }
0x8a: {  	s1 =	srdreg.scid  }
0x8b: {  	s0 =	sand.u32 $0x1, s1  }
0x8c: {  	s18 =	sshll.u32 s0, $0xA;
	s2 =	sadd.s32 s3, s2  }
0x8d: {  	s2 =	sadd.s32 s2, s18  }
0x8e: {  	[smem:$0x3FC5] =	sst s2  }
0x8f: {  	_ = 	snop  }
0x90: {  	s2 =	sld [smem:$0x3FC9]  }
0x91: {  	s19 =	sld [smem:$0x3FC8]  }
0x92: {  	s4 =	sld [smem:$0x3FC7]  }
0x93: {  	s5 =	sld [smem:$0x3FD0];
	(tm) =	ssettm $0x1  }
0x94: {  	s6 =	sld [smem:$0x3FFB];
	_ =	sdelay $0x3  }
0x95: {  	_ =	strace s6  }
0x96: {  	s6 =	sld [smem:$0x3FFC];
	_ =	sdelay $0x3  }
0x97: {  	_ =	strace s6  }
0x98: {  	s6 =	sld [smem:$0x3FFD];
	_ =	sdelay $0x3  }
0x99: {  	_ =	strace s6  }
0x9a: {  	_ =	strace $0x8FFFFFFF  }
0x9b: {  	s20 =	sld [smem:$0x3FDB];
	_ =	sdelay $0x1  }
0x9c: {  	s7 =	simm.s32 $_scs_section_size  }
0x9d: {  	s8 =	simm.s32 $_size__tile_overlayer_lowered;
	s9 =	simm.s32 $_tile_overlayer_lowered  }
0x9e: {  	s23 =	simm.s32 $0x1BFF;
	s22 =	sshll.u32 s9, $0x1;
	s6 =	sadd.s32 s7, s20  }
0x9f: {  	s10 =	simm.s32 $0x0;
	s21 =	sshll.u32 s8, $0x1;
	s8 =	sadd.s32 s22, s6  }
0xa0: {  	[timem:s10], [sflag:s23] =	dma.local [hbm:s8], s21  }
0xa1: {  	_ =	swait.ge [sflag:s23], s21  }
0xa2: {  	s7 =	ssub.s32 $0x0, s21;
	[sflag:s23] =	ssyncset.done $0x0  }
0xa3: {  	[sflag:s23] =	ssyncadd.s32 s7;
	_ =	sdelay $0x1  }
0xa4: {  	s24 =	simm.s32 $0x1B8B  }
0xa5: {  	_ =	swait.ge [sflag:s24], $0x1  }
0xa6: {  	[sflag:s24] =	ssyncset.done $0x0  }
0xa7: {  	s25 =	simm.s32 $0x1B8E;
	[sflag:s24] =	ssyncadd.s32 $0xFFFFFFFF  }
0xa8: {  	s26 =	simm.s32 $execute0_lowered;
	[smem:$0x3FD2] =	sst s25  }
0xa9: {  	s7 =	sshll.u32 s26, $0x1;
	_ =	strace $0x80000046;
	[dreg:$0x1] =	wrdreg $0xFFFFFFFF  }
0xaa: {  	s28 =	simm.s32 $_size_execute0_lowered;
	s6 =	sadd.s32 s6, s7;
	[dreg:$0x0] =	wrdreg $0x0  }
0xab: {  	s7 =	sshll.u32 s28, $0x1;
	[dreg:$0x2] =	wrdreg s6  }
0xac: {  	[dreg:$0x3] =	wrdreg s7  }
0xad: {  	[dreg:$0x4] =	wrdreg $0xC0  }
0xae: {  	_ =	task [dreg:s10], $0x5FFFF  }
0xaf: {  	[dreg:$0x1] =	wrdreg $0xFFFFFFFF  }
0xb0: {  	[dreg:$0x0] =	wrdreg $0x60  }
0xb1: {  	[dreg:$0x2] =	wrdreg s2  }
0xb2: {  	[dreg:$0x3] =	wrdreg s19  }
0xb3: {  	[dreg:$0x4] =	wrdreg s4  }
0xb4: {  	[dreg:$0x5] =	wrdreg s5  }
0xb5: {  	[dreg:$0x6] =	wrdreg $0x81000  }
0xb6: {  	[dreg:$0x7] =	wrdreg $0x9  }
0xb7: {  	_ =	task.clear_ibuf [dreg:s10], $0x8FFFF;
	_ =	strace $0x90000046  }
0xb8: {  	s29 =	simm.s32 $0x9;
	_ =	strace $0x80000048  }
0xb9: {  	_ =	swait.ge [sflag:s29], $0x1  }
0xba: {  	[sflag:s29] =	ssyncadd.s32 $0xFFFFFFFF  }
0xbb: {  	_ =	strace $0x90000048  }
0xbc: {  	_ =	sfence  }
0xbd: {  	s30 =	sld [smem:$0x0];
	_ =	sdelay $0x2  }
0xbe: {  	s31 =	sshll.u32 s1, $0xD;
	s1 =	sshrl.u32 s1, $0x2  }
0xbf: {  	s3 =	sand.u32 $0x4000, s31;
	s1 =	sadd.s32 s1, s30  }
0xc0: {  	s0 =	sor.u32 s3, s0;
	s1 =	sshll.u32 s1, $0x11  }
0xc1: {  	s0 =	sor.u32 s1, s0  }
0xc2: {  	s0 =	sadd.s32 $0x8F2B, s0  }
0xc3: {  	[sflag:s0] =	ssyncadd.remote.s32 $0x1  }
0xc4: {  	_ =	sfence.sel $0xFFFF  }
0xc5: {  	[dreg:$0x0] =	wrdreg $0xFFFFFFFF;
	(pc) =	sbr.abs _section_cstart, $3  }
0xc6: {  	[dreg:$0x1] =	wrdreg $0xFFFFFFFF  }
0xc7: {  	_ =	task.clear_ibuf [dreg:s10], $0x2FFFF;
	_ =	strace $0x9FFFFFFF  }
0xc8: {  	(tm) =	ssettm $0x7FFFFFFF  }
0xc9: {  	_ =	shalt  }
tec
execute0_lowered:
.L_overlay_start_1:
0x0: {  	(tag) =	ssettag $0x1  }
0x1: {  	s4 =	rddreg [dreg:$0x0]  }
0x2: {  	s1 =	rddreg [dreg:$0x1]  }
0x3: {  	s5 =	rddreg [dreg:$0x2]  }
0x4: {  	s24 =	rddreg [dreg:$0x3]  }
0x5: {  	s6 =	rddreg [dreg:$0x4];
	s3 =	simm.s32 $0x0  }
0x6: {  	s0 =	srdreg.scid;
	s2 =	stileid.u32;
	s23 =	simm.s32 $0x200  }
0x7: {  	[smem:$0x7FF] =	sst s3;
	s0 =	sand.u32 $0x1, s0;
	s25 =	sshrl.u32 s2, $0x2  }
0x8: {  	s7 =	sand.u32 $0x3, s2;
	s20 =	sshll.u32 s2, $0xF;
	s8 =	sshll.u32 s0, $0x2  }
0x9: {  	p0 =	sgt.u32 s2, $0x3;
	s9 =	sshll.u32 s25, $0x4;
	s26 =	sor.u32 s7, s8  }
0xa: {  	s4 =	sadd.s32 s4, s9;
	s8 =	sadd.s32 s2, s8;
	s10 =	sshll.u32 s26, $0x7  }
0xb: {  	_ =	strace $0x80000047;
	s8 =	sshll.u32 s8, $0xC;
	s4 =	sadd.s32 s10, s4  }
0xc: {  	s7 =	sshll.u32 s7, $0xF;
	s5 =	sadd.s32 s5, s8;
	[dreg:$0x6] =	wrdreg s4  }
0xd: {  	s9 =	simm.s32 @!p0 $0xA;
	s8 =	sadd.s32 s20, s6;
	[dreg:$0x7] =	wrdreg s5  }
0xe: {  	s4 =	sadd.s32 s7, s6;
	s5 =	simm.s32 $0x80;
	s22 =	rddreg [dreg:$0x6]  }
0xf: {  	s7 =	sshll.u32 @!p0 s2, $0x6;
	s21 =	sadd.s32 $0x2000, s4;
	s11 =	rddreg [dreg:$0x7]  }
0x10: {  	s8 =	sshrl.u32 @!p0 s8, $0x3;
	s7 =	sor.u32 @!p0 $0x1C0A, s7;
	[dreg:$0x8] =	wrdreg s21  }
0x11: {  	[tilespmem:s3], [sflag:$0x1] =	stream.strided.gather [hbm4b:s22+s5], $0x100, s23, s5, $0x38;
	[tilespmem:$0xA100] =	vst v63  }
0x12: {  	[spmem:s8], [sflag:s7] =	dma.local @!p0 [hbm:s11], $0x1000  }
0x13: {  	_ =	swait.ge @!p0 [sflag:s9], $0x1000  }
0x14: {  	[sflag:s9] =	ssyncset.done @!p0 $0x0  }
0x15: {  	[sflag:s9] =	ssyncadd.s32 @!p0 $0xFFFFF000  }
0x16: {  	s10 =	simm.s32 $0x100;
	[bflag:$0x0] =	sbarrier.arrive $0xFFFF  }
0x17: {  	[tilespmem:s10], [sflag:$0x2] =	stream.linear.gather [spmem:s4], $0x2000, $0x38;
	[tilespmem:$0xA100] =	vst v63  }
0x18: {  	s11 =	simm.s32 $0x2100;
	s12 =	rddreg [dreg:$0x8]  }
0x19: {  	[tilespmem:s11], [sflag:$0x3] =	stream.linear.gather [spmem:s12], $0x2000, $0x38;
	[tilespmem:$0xA100] =	vst v63  }
0x1a: {  	s13 =	simm.s32 $0x4100;
	s12 =	sadd.s32 $0x4000, s4  }
0x1b: {  	[tilespmem:s13], [sflag:$0x4] =	stream.linear.gather [spmem:s12], $0x2000, $0x38;
	[tilespmem:$0xA100] =	vst v63  }
0x1c: {  	s16 =	simm.s32 $0x6100;
	s14 =	simm.s32 $0x1;
	s15 =	sadd.s32 $0x6000, s4  }
0x1d: {  	[tilespmem:s16], [sflag:$0x5] =	stream.linear.gather [spmem:s15], $0x2000, $0x38;
	[tilespmem:$0xA100] =	vst v63  }
0x1e: {  	_ =	swait.ge [sflag:s14], $0x100  }
0x1f: {  	[sflag:s14] =	ssyncset.done $0x0  }
0x20: {  	s17 =	simm.s32 $0x2;
	[sflag:s14] =	ssyncadd.s32 $0xFFFFFF00  }
0x21: {  	_ =	swait.ge [sflag:s17], $0x2000  }
0x22: {  	[sflag:s17] =	ssyncset.done $0x0  }
0x23: {  	s18 =	simm.s32 $0x40;
	s19 =	simm.s32 $0x3;
	[sflag:s17] =	ssyncadd.s32 $0xFFFFE000  }
0x24: {  	[tilespmem:s10], [sflag:$0x6] =	stream.indirect.gather.add.f32 [hbm:s1], $0x80, s3, s18, $0xb8;
	[tilespmem:$0xA100] =	vst v63  }
0x25: {  	_ =	swait.ge [sflag:s19], $0x2000  }
0x26: {  	[sflag:s19] =	ssyncset.done $0x0  }
0x27: {  	s20 =	simm.s32 $0x4;
	[sflag:s19] =	ssyncadd.s32 $0xFFFFE000  }
0x28: {  	[tilespmem:s11], [sflag:$0x7] =	stream.indirect.gather.add.f32 [hbm:s1], $0x80, s18, s18, $0xb8;
	[tilespmem:$0xA100] =	vst v63  }
0x29: {  	_ =	swait.ge [sflag:s20], $0x2000  }
0x2a: {  	[sflag:s20] =	ssyncset.done $0x0  }
0x2b: {  	s21 =	simm.s32 $0x5;
	[sflag:s20] =	ssyncadd.s32 $0xFFFFE000  }
0x2c: {  	[tilespmem:s13], [sflag:$0x8] =	stream.indirect.gather.add.f32 [hbm:s1], $0x80, s5, s18, $0xb8;
	[tilespmem:$0xA100] =	vst v63  }
0x2d: {  	_ =	swait.ge [sflag:s21], $0x2000  }
0x2e: {  	[sflag:s21] =	ssyncset.done $0x0  }
0x2f: {  	s6 =	simm.s32 $0xC0;
	s23 =	simm.s32 $0x6;
	[sflag:s21] =	ssyncadd.s32 $0xFFFFE000  }
0x30: {  	[tilespmem:s16], [sflag:$0x9] =	stream.indirect.gather.add.f32 [hbm:s1], $0x80, s6, s18, $0xb8;
	[tilespmem:$0xA100] =	vst v63  }
0x31: {  	s25 =	sshll.u32 s25, $0xF;
	s26 =	sshll.u32 s26, $0xC;
	_ =	swait.ge [sflag:s23], $0x2000  }
0x32: {  	s25 =	sor.u32 s25, s26;
	[sflag:s23] =	ssyncset.done $0x0  }
0x33: {  	s24 =	sadd.s32 s24, s25;
	s25 =	simm.s32 $0x7;
	[sflag:s23] =	ssyncadd.s32 $0xFFFFE000  }
0x34: {  	[hbm4b:s24+s3] =	stream.linear.scatter [tilespmem:s10], [sflag:$0x1], $0x2000, $0x38;
	[tilespmem:$0xA100] =	vst v63  }
0x35: {  	_ =	swait.ge [sflag:s25], $0x2000  }
0x36: {  	[sflag:s25] =	ssyncset.done $0x0  }
0x37: {  	s28 =	simm.s32 $0x8;
	s26 =	sadd.s32 $0x400, s24;
	[sflag:s25] =	ssyncadd.s32 $0xFFFFE000  }
0x38: {  	[hbm4b:s26+s3] =	stream.linear.scatter [tilespmem:s11], [sflag:$0x1], $0x2000, $0x38;
	[tilespmem:$0xA100] =	vst v63  }
0x39: {  	_ =	swait.ge [sflag:s28], $0x2000  }
0x3a: {  	[sflag:s28] =	ssyncset.done $0x0  }
0x3b: {  	s30 =	simm.s32 $0x9;
	s29 =	sadd.s32 $0x800, s24;
	[sflag:s28] =	ssyncadd.s32 $0xFFFFE000  }
0x3c: {  	[hbm4b:s29+s3] =	stream.linear.scatter [tilespmem:s13], [sflag:$0x1], $0x2000, $0x38;
	[tilespmem:$0xA100] =	vst v63  }
0x3d: {  	_ =	swait.ge [sflag:s30], $0x2000  }
0x3e: {  	[sflag:s30] =	ssyncset.done $0x0  }
0x3f: {  	s0 =	ssub.s32 $0x2, s0;
	s31 =	sadd.s32 $0xC00, s24;
	[sflag:s30] =	ssyncadd.s32 $0xFFFFE000  }
0x40: {  	[hbm4b:s31+s3] =	stream.linear.scatter [tilespmem:s16], [sflag:$0x1], $0x2000, $0x38;
	[tilespmem:$0xA100] =	vst v63  }
0x41: {  	s22 =	sshrl.u32 s0, $0x1;
	_ =	swait.ge [sflag:s14], $0x2000  }
0x42: {  	s0 =	ssub.s32 s0, s22;
	[sflag:s14] =	ssyncset.done $0x0  }
0x43: {  	s0 =	smax.u32 s0, $0x1;
	[sflag:s14] =	ssyncadd.s32 $0xFFFFE000  }
0x44: {  	s0 =	sadd.s32 $0xFFFFFFFF, s0;
	_ =	swait.ge [sflag:s14], $0x2000  }
0x45: {  	p1 =	sne.s32 s0, $0x0;
	[sflag:s14] =	ssyncset.done $0x0  }
.Ltmp0:
0x46: {  	[sflag:s14] =	ssyncadd.s32 $0xFFFFE000;
	(pc) =	sbr.rel @!p1 .LBB2_3-.Ltmp0, $4  }
0x47: {  	_ =	swait.ge [sflag:s14], $0x2000  }
0x48: {  	[sflag:s14] =	ssyncset.done $0x0  }
0x49: {  	[sflag:s14] =	ssyncadd.s32 $0xFFFFE000  }
0x4a: {  	_ =	swait.ge [sflag:s14], $0x2000  }
0x4b: {  	s22 =	simm.s32 $0x200  }
.LBB2_2:
0x4c: {  	s2 =	rddreg [dreg:$0x6];
	[sflag:s14] =	ssyncset.done $0x0  }
0x4d: {  	s6 =	rddreg [dreg:$0x7];
	[sflag:s14] =	ssyncadd.s32 $0xFFFFE000  }
0x4e: {  	[tilespmem:s3], [sflag:$0x1] =	stream.strided.gather [hbm4b:s2+s5], $0x100, s22, s5, $0x38;
	[tilespmem:$0xA100] =	vst v63  }
0x4f: {  	[spmem:s8], [sflag:s7] =	dma.local @!p0 [hbm:s6], $0x1000  }
0x50: {  	_ =	swait.ge @!p0 [sflag:s9], $0x1000  }
0x51: {  	[sflag:s9] =	ssyncset.done @!p0 $0x0  }
0x52: {  	[sflag:s9] =	ssyncadd.s32 @!p0 $0xFFFFF000  }
0x53: {  	[bflag:$0x0] =	sbarrier.arrive $0xFFFF  }
0x54: {  	[tilespmem:s10], [sflag:$0x2] =	stream.linear.gather [spmem:s4], $0x2000, $0x38;
	[tilespmem:$0xA100] =	vst v63  }
0x55: {  	s6 =	rddreg [dreg:$0x8]  }
0x56: {  	[tilespmem:s11], [sflag:$0x3] =	stream.linear.gather [spmem:s6], $0x2000, $0x38;
	[tilespmem:$0xA100] =	vst v63  }
0x57: {  	_ = 	snop  }
0x58: {  	[tilespmem:s13], [sflag:$0x4] =	stream.linear.gather [spmem:s12], $0x2000, $0x38;
	[tilespmem:$0xA100] =	vst v63  }
0x59: {  	_ = 	snop  }
0x5a: {  	[tilespmem:s16], [sflag:$0x5] =	stream.linear.gather [spmem:s15], $0x2000, $0x38;
	[tilespmem:$0xA100] =	vst v63  }
0x5b: {  	_ =	swait.ge [sflag:s14], $0x100  }
0x5c: {  	[sflag:s14] =	ssyncset.done $0x0  }
0x5d: {  	[sflag:s14] =	ssyncadd.s32 $0xFFFFFF00  }
0x5e: {  	_ =	swait.ge [sflag:s17], $0x2000  }
0x5f: {  	[sflag:s17] =	ssyncset.done $0x0  }
0x60: {  	[sflag:s17] =	ssyncadd.s32 $0xFFFFE000  }
0x61: {  	[tilespmem:s10], [sflag:$0x6] =	stream.indirect.gather.add.f32 [hbm:s1], $0x80, s3, s18, $0xb8;
	[tilespmem:$0xA100] =	vst v63  }
0x62: {  	_ =	swait.ge [sflag:s19], $0x2000  }
0x63: {  	[sflag:s19] =	ssyncset.done $0x0  }
0x64: {  	[sflag:s19] =	ssyncadd.s32 $0xFFFFE000  }
0x65: {  	[tilespmem:s11], [sflag:$0x7] =	stream.indirect.gather.add.f32 [hbm:s1], $0x80, s18, s18, $0xb8;
	[tilespmem:$0xA100] =	vst v63  }
0x66: {  	_ =	swait.ge [sflag:s20], $0x2000  }
0x67: {  	[sflag:s20] =	ssyncset.done $0x0  }
0x68: {  	[sflag:s20] =	ssyncadd.s32 $0xFFFFE000  }
0x69: {  	[tilespmem:s13], [sflag:$0x8] =	stream.indirect.gather.add.f32 [hbm:s1], $0x80, s5, s18, $0xb8;
	[tilespmem:$0xA100] =	vst v63  }
0x6a: {  	_ =	swait.ge [sflag:s21], $0x2000  }
0x6b: {  	[sflag:s21] =	ssyncset.done $0x0  }
0x6c: {  	s6 =	simm.s32 $0xC0;
	[sflag:s21] =	ssyncadd.s32 $0xFFFFE000  }
0x6d: {  	[tilespmem:s16], [sflag:$0x9] =	stream.indirect.gather.add.f32 [hbm:s1], $0x80, s6, s18, $0xb8;
	[tilespmem:$0xA100] =	vst v63  }
0x6e: {  	_ =	swait.ge [sflag:s23], $0x2000  }
0x6f: {  	[sflag:s23] =	ssyncset.done $0x0  }
0x70: {  	[sflag:s23] =	ssyncadd.s32 $0xFFFFE000  }
0x71: {  	[hbm4b:s24+s3] =	stream.linear.scatter [tilespmem:s10], [sflag:$0x1], $0x2000, $0x38;
	[tilespmem:$0xA100] =	vst v63  }
0x72: {  	_ =	swait.ge [sflag:s25], $0x2000  }
0x73: {  	[sflag:s25] =	ssyncset.done $0x0  }
0x74: {  	[sflag:s25] =	ssyncadd.s32 $0xFFFFE000  }
0x75: {  	[hbm4b:s26+s3] =	stream.linear.scatter [tilespmem:s11], [sflag:$0x1], $0x2000, $0x38;
	[tilespmem:$0xA100] =	vst v63  }
0x76: {  	_ =	swait.ge [sflag:s28], $0x2000  }
0x77: {  	[sflag:s28] =	ssyncset.done $0x0  }
0x78: {  	[sflag:s28] =	ssyncadd.s32 $0xFFFFE000  }
0x79: {  	[hbm4b:s29+s3] =	stream.linear.scatter [tilespmem:s13], [sflag:$0x1], $0x2000, $0x38;
	[tilespmem:$0xA100] =	vst v63  }
0x7a: {  	_ =	swait.ge [sflag:s30], $0x2000  }
0x7b: {  	[sflag:s30] =	ssyncset.done $0x0  }
0x7c: {  	[sflag:s30] =	ssyncadd.s32 $0xFFFFE000  }
0x7d: {  	[hbm4b:s31+s3] =	stream.linear.scatter [tilespmem:s16], [sflag:$0x1], $0x2000, $0x38;
	[tilespmem:$0xA100] =	vst v63  }
0x7e: {  	_ =	swait.ge [sflag:s14], $0x2000  }
0x7f: {  	[sflag:s14] =	ssyncset.done $0x0  }
0x80: {  	[sflag:s14] =	ssyncadd.s32 $0xFFFFE000  }
0x81: {  	s0 =	sadd.s32 $0xFFFFFFFF, s0;
	_ =	swait.ge [sflag:s14], $0x2000  }
0x82: {  	p1 =	sne.s32 s0, $0x0;
	[sflag:s14] =	ssyncset.done $0x0  }
.Ltmp1:
0x83: {  	[sflag:s14] =	ssyncadd.s32 $0xFFFFE000;
	(pc) =	sbr.rel @p1 .LBB2_2-.Ltmp1, $4  }
0x84: {  	_ =	swait.ge [sflag:s14], $0x2000  }
0x85: {  	[sflag:s14] =	ssyncset.done $0x0  }
0x86: {  	[sflag:s14] =	ssyncadd.s32 $0xFFFFE000  }
0x87: {  	_ =	swait.ge [sflag:s14], $0x2000  }
.LBB2_3:
0x88: {  	[sflag:s14] =	ssyncset.done $0x0  }
0x89: {  	[sflag:s14] =	ssyncadd.s32 $0xFFFFE000  }
0x8a: {  	_ =	sfence.sel $0x180000  }
0x8b: {  	[bflag:$0x0] =	sbarrier.arrive $0xFFFF  }
0x8c: {  	_ =	strace $0x90000047  }
0x8d: {  	s0 =	stileid.u32;
	[bflag:$0x2] =	sbarrier.arrive $0xFFFF  }
0x8e: {  	p0 =	sne.s32 s0, $0x0;
	s0 =	rddreg [dreg:$0x5]  }
0x8f: {  	s0 =	sadd.s32 @!p0 $0x100000, s0  }
0x90: {  	[sflag:s0] =	ssyncadd.tile.s32 @!p0 $0x1;
	_ =	shalt  }
.Lfunc_end2:
_tile_overlayer_lowered:
.L_overlay_start_2:
0x91: {  	(tag) =	ssettag $0x2  }
0x92: {  	s0 =	rddreg [dreg:$0x0];
	s2 =	stileid.u32  }
0x93: {  	s1 =	rddreg [dreg:$0x1];
	p0 =	sne.s32 s2, $0x0  }
0x94: {  	s3 =	rddreg [dreg:$0x2];
	[bflag:$0x3] =	sbarrier.arrive $0xFFFF;
	s2 =	simm.s32 @!p0 $0x1C0A  }
0x95: {  	[timem:s3], [sflag:s2] =	dma.local @!p0 [hbm:s0], s1  }
0x96: {  	s0 =	simm.s32 @!p0 $0xA  }
0x97: {  	_ =	swait.ge @!p0 [sflag:s0], s1  }
0x98: {  	s1 =	ssub.s32 @!p0 $0x0, s1;
	[sflag:s0] =	ssyncset.done @!p0 $0x0  }
0x99: {  	[sflag:s0] =	ssyncadd.s32 @!p0 s1  }
0x9a: {  	[bflag:$0x3] =	sbarrier.arrive $0xFFFF  }
0x9b: {  	_ =	shalt  }

</sc_bundles>
